<compile_context>
chip_gen: v7x
topology: tpu7x:2x2x1
jax: 0.10.2.dev20260603
libtpu: 0.0.44.dev20260713+nightly
codegen_flags: <defaults>
</compile_context>

<pallas_src>
import functools

import jax
import jax.numpy as jnp
from jax import lax
from jax.experimental import pallas as pl
from jax.experimental.pallas import tpu as pltpu
from jax.experimental.pallas import tpu_sc as plsc

_INFO = plsc.get_sparse_core_info()
_NC = _INFO.num_cores
_NS = _INFO.num_subcores
_NW = _NC * _NS
_NBUF = 2


@functools.partial(jax.jit, static_argnums=(2, 3))
def _gather_rows(table, idx3, chunk, n_chunks):
    n_rows = _NW * n_chunks * chunk
    d = table.shape[1]
    mesh = plsc.VectorSubcoreMesh(core_axis_name="c", subcore_axis_name="s")

    @functools.partial(
        pl.kernel,
        mesh=mesh,
        out_type=jax.ShapeDtypeStruct((n_rows, d), jnp.float32),
        scratch_types=[
            pltpu.VMEM((n_chunks, chunk), jnp.int32),
            pltpu.VMEM((chunk, d), jnp.float32),
            pltpu.VMEM((chunk, d), jnp.float32),
            pltpu.SemaphoreType.DMA,
            pltpu.SemaphoreType.DMA,
            pltpu.SemaphoreType.DMA,
            pltpu.SemaphoreType.DMA,
        ],
    )
    def k(table_hbm, idx_hbm, out_hbm, idx_v, rows0, rows1, g0, g1, o0, o1):
        wid = lax.axis_index("s") * _NC + lax.axis_index("c")
        base = wid * (n_chunks * chunk)
        rows = (rows0, rows1)
        gsem = (g0, g1)
        osem = (o0, o1)
        pltpu.sync_copy(idx_hbm.at[wid], idx_v)

        def start_gather(i, b):
            pltpu.async_copy(table_hbm.at[idx_v.at[i]], rows[b], gsem[b])

        def wait_gather(b):
            pltpu.make_async_copy(
                table_hbm.at[pl.ds(0, chunk)], rows[b], gsem[b]).wait()

        def start_out(i, b):
            pltpu.async_copy(
                rows[b], out_hbm.at[pl.ds(base + i * chunk, chunk)], osem[b])

        def wait_out(i, b):
            pltpu.make_async_copy(
                rows[b], out_hbm.at[pl.ds(base + i * chunk, chunk)],
                osem[b]).wait()

        for b in range(_NBUF):
            start_gather(b, b)

        def body(g, carry):
            i0 = g * _NBUF
            for b in range(_NBUF):
                i = i0 + b
                wait_gather(b)
                start_out(i, b)
                wait_out(i, b)
                start_gather(i + _NBUF, b)
            return carry

        lax.fori_loop(0, n_chunks // _NBUF - 1, body, 0)

        i0 = n_chunks - _NBUF
        for b in range(_NBUF):
            i = i0 + b
            wait_gather(b)
            start_out(i, b)
        for b in range(_NBUF):
            wait_out(i0 + b, b)

    return k(table, idx3)


def kernel(x, emb_weight):
    b, s = x.shape
    n = b * s
    chunk = 8
    n_chunks = n // (_NW * chunk)
    idx3 = x.reshape(_NW, n_chunks, chunk).astype(jnp.int32)
    out = _gather_rows(emb_weight, idx3, chunk, n_chunks)
    return out.reshape(b, s, emb_weight.shape[1])

# --- scband reference (transcript-rebuilt; emitter-appended) ---
"""Pipeline reference for scband-embedding-79113297592647 (READ-ONLY COPY).

The authoritative reference and input builder live on the scoring server;
editing this copy changes nothing except your own understanding.
"""

import jax, jax.numpy as jnp
import numpy as np

N_VOCAB = 50432
N_HIDDEN = 6144

def setup_inputs(seed: int = 0) -> dict:
    key = jax.random.key(seed)
    k_idx, k_w = jax.random.split(key)
    x = jax.random.randint(k_idx, (4, 2048), 0, N_VOCAB, dtype=jnp.int64 if jax.config.jax_enable_x64 else jnp.int32)
    emb_weight = jax.random.normal(k_w, (N_VOCAB, N_HIDDEN), dtype=jnp.float32)
    return {"x": x, "emb_weight": emb_weight}

def reference(x, emb_weight):
    # nn.Embedding forward: gather rows of the table by token id
    return jnp.take(emb_weight, x, axis=0)

if __name__ == "__main__":
    import jax
    _d = setup_inputs()
    print(jax.jit(kernel)(*tuple(_d.values())))

</pallas_src>

<mosaic_0001>
#map = affine_map<(d0, d1) -> (0, 0)>
#map1 = affine_map<(d0, d1) -> (0, 0, 0)>
module attributes {stable_mosaic.version = 14 : i64} {
  func.func @k(%arg0: i32, %arg1: i32, %arg2: memref<50432x6144xf32, #tpu.memory_space<hbm>>, %arg3: memref<32x32x8xi32, #tpu.memory_space<hbm>>, %arg4: memref<8192x6144xf32, #tpu.memory_space<hbm>>, %arg5: memref<32x8xi32, #tpu.memory_space<vmem>>, %arg6: memref<8x6144xf32, #tpu.memory_space<vmem>>, %arg7: memref<8x6144xf32, #tpu.memory_space<vmem>>, %arg8: memref<!tpu.dma_semaphore, #tpu.memory_space<semaphore_mem>>, %arg9: memref<!tpu.dma_semaphore, #tpu.memory_space<semaphore_mem>>, %arg10: memref<!tpu.dma_semaphore, #tpu.memory_space<semaphore_mem>>, %arg11: memref<!tpu.dma_semaphore, #tpu.memory_space<semaphore_mem>>) attributes {dimension_semantics = [#tpu.dimension_semantics<core_parallel>, #tpu.dimension_semantics<subcore_parallel>], iteration_bounds = array<i64: 2, 16>, scalar_prefetch = 0 : i64, scratch_operands = 7 : i64, tpu.core_type = #tpu.core_type<sc_vector_subcore>, window_params = [{transform_indices = #map}, {transform_indices = #map1}, {transform_indices = #map}]} {
    %mul3A = arith.constant 2 : i32
    %mul3A_0 = arith.muli %arg1, %mul3A : i32
    %add3A = arith.addi %mul3A_0, %arg0 : i32
    %mul3A_1 = arith.constant 256 : i32
    %mul3A_2 = arith.muli %add3A, %mul3A_1 : i32
    "tpu.region"() ({
      %run_scoped3A = tpu.sem_alloc : memref<!tpu.dma_semaphore, #tpu.memory_space<semaphore_mem>>
      %dma_start3A_56 = arith.constant 0 : i32
      %dma_start3A_57 = arith.constant 0 : i32
      %dma_start3A_58 = tpu.memref_slice %arg3[%add3A, %dma_start3A_56, %dma_start3A_57] : memref<32x32x8xi32, #tpu.memory_space<hbm>> -> memref<1x32x8xi32, #tpu.memory_space<hbm>>
      %dma_start3A_59 = tpu.memref_squeeze %dma_start3A_58 : memref<1x32x8xi32, #tpu.memory_space<hbm>> -> memref<32x8xi32, #tpu.memory_space<hbm>>
      %dma_start3A_60 = arith.constant 0 : i32
      %dma_start3A_61 = arith.constant 0 : i32
      %dma_start3A_62 = tpu.memref_slice %arg3[%add3A, %dma_start3A_60, %dma_start3A_61] : memref<32x32x8xi32, #tpu.memory_space<hbm>> -> memref<1x32x8xi32, #tpu.memory_space<hbm>>
      %dma_start3A_63 = tpu.memref_squeeze %dma_start3A_62 : memref<1x32x8xi32, #tpu.memory_space<hbm>> -> memref<32x8xi32, #tpu.memory_space<hbm>>
      tpu.enqueue_dma source(%dma_start3A_63 : memref<32x8xi32, #tpu.memory_space<hbm>>) target(%arg5 : memref<32x8xi32, #tpu.memory_space<vmem>>) target_semaphore(%run_scoped3A : memref<!tpu.dma_semaphore, #tpu.memory_space<semaphore_mem>>)
      %dma_wait3A_64 = arith.constant 0 : i32
      %dma_wait3A_65 = arith.constant 0 : i32
      %dma_wait3A_66 = tpu.memref_slice %arg3[%add3A, %dma_wait3A_64, %dma_wait3A_65] : memref<32x32x8xi32, #tpu.memory_space<hbm>> -> memref<1x32x8xi32, #tpu.memory_space<hbm>>
      %dma_wait3A_67 = tpu.memref_squeeze %dma_wait3A_66 : memref<1x32x8xi32, #tpu.memory_space<hbm>> -> memref<32x8xi32, #tpu.memory_space<hbm>>
      %dma_wait3A_68 = arith.constant 0 : i32
      %dma_wait3A_69 = arith.constant 0 : i32
      %dma_wait3A_70 = tpu.memref_slice %arg3[%add3A, %dma_wait3A_68, %dma_wait3A_69] : memref<32x32x8xi32, #tpu.memory_space<hbm>> -> memref<1x32x8xi32, #tpu.memory_space<hbm>>
      %dma_wait3A_71 = tpu.memref_squeeze %dma_wait3A_70 : memref<1x32x8xi32, #tpu.memory_space<hbm>> -> memref<32x8xi32, #tpu.memory_space<hbm>>
      tpu.wait_dma2 semaphore(%run_scoped3A : memref<!tpu.dma_semaphore, #tpu.memory_space<semaphore_mem>>) src(%dma_wait3A_71 : memref<32x8xi32, #tpu.memory_space<hbm>>) dst(%arg5 : memref<32x8xi32, #tpu.memory_space<vmem>>)
      tpu.yield
    }) : () -> ()
    %dma_start3A = arith.constant 0 : i32
    %dma_start3A_3 = arith.constant 0 : i32
    %dma_start3A_4 = tpu.memref_slice %arg5[%dma_start3A, %dma_start3A_3] : memref<32x8xi32, #tpu.memory_space<vmem>> -> memref<1x8xi32, #tpu.memory_space<vmem>>
    %dma_start3A_5 = tpu.memref_squeeze %dma_start3A_4 : memref<1x8xi32, #tpu.memory_space<vmem>> -> memref<8xi32, #tpu.memory_space<vmem>>
    %dma_start3A_6 = arith.constant 0 : i32
    %dma_start3A_7 = arith.constant 0 : i32
    %dma_start3A_8 = tpu.memref_slice %arg2[%dma_start3A_6, %dma_start3A_7] : memref<50432x6144xf32, #tpu.memory_space<hbm>> -> memref<50432x6144xf32, #tpu.memory_space<hbm>>
    tpu.enqueue_indirect_dma source(%dma_start3A_8 : memref<50432x6144xf32, #tpu.memory_space<hbm>>) target(%arg6 : memref<8x6144xf32, #tpu.memory_space<vmem>>) offsets(%dma_start3A_5 : memref<8xi32, #tpu.memory_space<vmem>>) semaphore(%arg8 : memref<!tpu.dma_semaphore, #tpu.memory_space<semaphore_mem>>)
    %dma_start3A_9 = arith.constant 1 : i32
    %dma_start3A_10 = arith.constant 0 : i32
    %dma_start3A_11 = tpu.memref_slice %arg5[%dma_start3A_9, %dma_start3A_10] : memref<32x8xi32, #tpu.memory_space<vmem>> -> memref<1x8xi32, #tpu.memory_space<vmem>>
    %dma_start3A_12 = tpu.memref_squeeze %dma_start3A_11 : memref<1x8xi32, #tpu.memory_space<vmem>> -> memref<8xi32, #tpu.memory_space<vmem>>
    %dma_start3A_13 = arith.constant 0 : i32
    %dma_start3A_14 = arith.constant 0 : i32
    %dma_start3A_15 = tpu.memref_slice %arg2[%dma_start3A_13, %dma_start3A_14] : memref<50432x6144xf32, #tpu.memory_space<hbm>> -> memref<50432x6144xf32, #tpu.memory_space<hbm>>
    tpu.enqueue_indirect_dma source(%dma_start3A_15 : memref<50432x6144xf32, #tpu.memory_space<hbm>>) target(%arg7 : memref<8x6144xf32, #tpu.memory_space<vmem>>) offsets(%dma_start3A_12 : memref<8xi32, #tpu.memory_space<vmem>>) semaphore(%arg9 : memref<!tpu.dma_semaphore, #tpu.memory_space<semaphore_mem>>)
    %scan3A = arith.constant 0 : i32
    %scan3A_16 = arith.constant 0 : i32
    %scan3A_17 = arith.constant 15 : i32
    %scan3A_18 = arith.addi %scan3A_16, %scan3A_17 : i32
    %scan3A_19 = arith.constant 1 : i32
    scf.for %scan3A_56 = %scan3A_16 to %scan3A_18 step %scan3A_19  : i32 {
      %mul3A_57 = arith.constant 2 : i32
      %mul3A_58 = arith.muli %scan3A_56, %mul3A_57 : i32
      %add3A_59 = arith.constant 0 : i32
      %add3A_60 = arith.addi %mul3A_58, %add3A_59 : i32
      %dma_wait3A_61 = arith.constant 0 : i32
      %dma_wait3A_62 = arith.constant 0 : i32
      %dma_wait3A_63 = tpu.memref_slice %arg2[%dma_wait3A_61, %dma_wait3A_62] : memref<50432x6144xf32, #tpu.memory_space<hbm>> -> memref<8x6144xf32, #tpu.memory_space<hbm>>
      %dma_wait3A_64 = arith.constant 0 : i32
      %dma_wait3A_65 = arith.constant 0 : i32
      %dma_wait3A_66 = tpu.memref_slice %arg2[%dma_wait3A_64, %dma_wait3A_65] : memref<50432x6144xf32, #tpu.memory_space<hbm>> -> memref<8x6144xf32, #tpu.memory_space<hbm>>
      tpu.wait_dma2 semaphore(%arg8 : memref<!tpu.dma_semaphore, #tpu.memory_space<semaphore_mem>>) src(%dma_wait3A_66 : memref<8x6144xf32, #tpu.memory_space<hbm>>) dst(%arg6 : memref<8x6144xf32, #tpu.memory_space<vmem>>)
      %mul3A_67 = arith.constant 8 : i32
      %mul3A_68 = arith.muli %add3A_60, %mul3A_67 : i32
      %add3A_69 = arith.addi %mul3A_2, %mul3A_68 : i32
      %dma_start3A_70 = arith.constant 0 : i32
      %dma_start3A_71 = tpu.memref_slice %arg4[%add3A_69, %dma_start3A_70] : memref<8192x6144xf32, #tpu.memory_space<hbm>> -> memref<8x6144xf32, #tpu.memory_space<hbm>>
      %dma_start3A_72 = arith.constant 0 : i32
      %dma_start3A_73 = tpu.memref_slice %arg4[%add3A_69, %dma_start3A_72] : memref<8192x6144xf32, #tpu.memory_space<hbm>> -> memref<8x6144xf32, #tpu.memory_space<hbm>>
      tpu.enqueue_dma source(%arg6 : memref<8x6144xf32, #tpu.memory_space<vmem>>) target(%dma_start3A_73 : memref<8x6144xf32, #tpu.memory_space<hbm>>) target_semaphore(%arg10 : memref<!tpu.dma_semaphore, #tpu.memory_space<semaphore_mem>>)
      %mul3A_74 = arith.constant 8 : i32
      %mul3A_75 = arith.muli %add3A_60, %mul3A_74 : i32
      %add3A_76 = arith.addi %mul3A_2, %mul3A_75 : i32
      %dma_wait3A_77 = arith.constant 0 : i32
      %dma_wait3A_78 = tpu.memref_slice %arg4[%add3A_76, %dma_wait3A_77] : memref<8192x6144xf32, #tpu.memory_space<hbm>> -> memref<8x6144xf32, #tpu.memory_space<hbm>>
      %dma_wait3A_79 = arith.constant 0 : i32
      %dma_wait3A_80 = tpu.memref_slice %arg4[%add3A_76, %dma_wait3A_79] : memref<8192x6144xf32, #tpu.memory_space<hbm>> -> memref<8x6144xf32, #tpu.memory_space<hbm>>
      tpu.wait_dma2 semaphore(%arg10 : memref<!tpu.dma_semaphore, #tpu.memory_space<semaphore_mem>>) src(%arg6 : memref<8x6144xf32, #tpu.memory_space<vmem>>) dst(%dma_wait3A_80 : memref<8x6144xf32, #tpu.memory_space<hbm>>)
      %add3A_81 = arith.constant 2 : i32
      %add3A_82 = arith.addi %add3A_60, %add3A_81 : i32
      %dma_start3A_83 = arith.constant 0 : i32
      %dma_start3A_84 = tpu.memref_slice %arg5[%add3A_82, %dma_start3A_83] : memref<32x8xi32, #tpu.memory_space<vmem>> -> memref<1x8xi32, #tpu.memory_space<vmem>>
      %dma_start3A_85 = tpu.memref_squeeze %dma_start3A_84 : memref<1x8xi32, #tpu.memory_space<vmem>> -> memref<8xi32, #tpu.memory_space<vmem>>
      %dma_start3A_86 = arith.constant 0 : i32
      %dma_start3A_87 = arith.constant 0 : i32
      %dma_start3A_88 = tpu.memref_slice %arg2[%dma_start3A_86, %dma_start3A_87] : memref<50432x6144xf32, #tpu.memory_space<hbm>> -> memref<50432x6144xf32, #tpu.memory_space<hbm>>
      tpu.enqueue_indirect_dma source(%dma_start3A_88 : memref<50432x6144xf32, #tpu.memory_space<hbm>>) target(%arg6 : memref<8x6144xf32, #tpu.memory_space<vmem>>) offsets(%dma_start3A_85 : memref<8xi32, #tpu.memory_space<vmem>>) semaphore(%arg8 : memref<!tpu.dma_semaphore, #tpu.memory_space<semaphore_mem>>)
      %add3A_89 = arith.constant 1 : i32
      %add3A_90 = arith.addi %mul3A_58, %add3A_89 : i32
      %dma_wait3A_91 = arith.constant 0 : i32
      %dma_wait3A_92 = arith.constant 0 : i32
      %dma_wait3A_93 = tpu.memref_slice %arg2[%dma_wait3A_91, %dma_wait3A_92] : memref<50432x6144xf32, #tpu.memory_space<hbm>> -> memref<8x6144xf32, #tpu.memory_space<hbm>>
      %dma_wait3A_94 = arith.constant 0 : i32
      %dma_wait3A_95 = arith.constant 0 : i32
      %dma_wait3A_96 = tpu.memref_slice %arg2[%dma_wait3A_94, %dma_wait3A_95] : memref<50432x6144xf32, #tpu.memory_space<hbm>> -> memref<8x6144xf32, #tpu.memory_space<hbm>>
      tpu.wait_dma2 semaphore(%arg9 : memref<!tpu.dma_semaphore, #tpu.memory_space<semaphore_mem>>) src(%dma_wait3A_96 : memref<8x6144xf32, #tpu.memory_space<hbm>>) dst(%arg7 : memref<8x6144xf32, #tpu.memory_space<vmem>>)
      %mul3A_97 = arith.constant 8 : i32
      %mul3A_98 = arith.muli %add3A_90, %mul3A_97 : i32
      %add3A_99 = arith.addi %mul3A_2, %mul3A_98 : i32
      %dma_start3A_100 = arith.constant 0 : i32
      %dma_start3A_101 = tpu.memref_slice %arg4[%add3A_99, %dma_start3A_100] : memref<8192x6144xf32, #tpu.memory_space<hbm>> -> memref<8x6144xf32, #tpu.memory_space<hbm>>
      %dma_start3A_102 = arith.constant 0 : i32
      %dma_start3A_103 = tpu.memref_slice %arg4[%add3A_99, %dma_start3A_102] : memref<8192x6144xf32, #tpu.memory_space<hbm>> -> memref<8x6144xf32, #tpu.memory_space<hbm>>
      tpu.enqueue_dma source(%arg7 : memref<8x6144xf32, #tpu.memory_space<vmem>>) target(%dma_start3A_103 : memref<8x6144xf32, #tpu.memory_space<hbm>>) target_semaphore(%arg11 : memref<!tpu.dma_semaphore, #tpu.memory_space<semaphore_mem>>)
      %mul3A_104 = arith.constant 8 : i32
      %mul3A_105 = arith.muli %add3A_90, %mul3A_104 : i32
      %add3A_106 = arith.addi %mul3A_2, %mul3A_105 : i32
      %dma_wait3A_107 = arith.constant 0 : i32
      %dma_wait3A_108 = tpu.memref_slice %arg4[%add3A_106, %dma_wait3A_107] : memref<8192x6144xf32, #tpu.memory_space<hbm>> -> memref<8x6144xf32, #tpu.memory_space<hbm>>
      %dma_wait3A_109 = arith.constant 0 : i32
      %dma_wait3A_110 = tpu.memref_slice %arg4[%add3A_106, %dma_wait3A_109] : memref<8192x6144xf32, #tpu.memory_space<hbm>> -> memref<8x6144xf32, #tpu.memory_space<hbm>>
      tpu.wait_dma2 semaphore(%arg11 : memref<!tpu.dma_semaphore, #tpu.memory_space<semaphore_mem>>) src(%arg7 : memref<8x6144xf32, #tpu.memory_space<vmem>>) dst(%dma_wait3A_110 : memref<8x6144xf32, #tpu.memory_space<hbm>>)
      %add3A_111 = arith.constant 2 : i32
      %add3A_112 = arith.addi %add3A_90, %add3A_111 : i32
      %dma_start3A_113 = arith.constant 0 : i32
      %dma_start3A_114 = tpu.memref_slice %arg5[%add3A_112, %dma_start3A_113] : memref<32x8xi32, #tpu.memory_space<vmem>> -> memref<1x8xi32, #tpu.memory_space<vmem>>
      %dma_start3A_115 = tpu.memref_squeeze %dma_start3A_114 : memref<1x8xi32, #tpu.memory_space<vmem>> -> memref<8xi32, #tpu.memory_space<vmem>>
      %dma_start3A_116 = arith.constant 0 : i32
      %dma_start3A_117 = arith.constant 0 : i32
      %dma_start3A_118 = tpu.memref_slice %arg2[%dma_start3A_116, %dma_start3A_117] : memref<50432x6144xf32, #tpu.memory_space<hbm>> -> memref<50432x6144xf32, #tpu.memory_space<hbm>>
      tpu.enqueue_indirect_dma source(%dma_start3A_118 : memref<50432x6144xf32, #tpu.memory_space<hbm>>) target(%arg7 : memref<8x6144xf32, #tpu.memory_space<vmem>>) offsets(%dma_start3A_115 : memref<8xi32, #tpu.memory_space<vmem>>) semaphore(%arg9 : memref<!tpu.dma_semaphore, #tpu.memory_space<semaphore_mem>>)
    }
    %scan3A_20 = arith.constant 15 : i32
    %dma_wait3A = arith.constant 0 : i32
    %dma_wait3A_21 = arith.constant 0 : i32
    %dma_wait3A_22 = tpu.memref_slice %arg2[%dma_wait3A, %dma_wait3A_21] : memref<50432x6144xf32, #tpu.memory_space<hbm>> -> memref<8x6144xf32, #tpu.memory_space<hbm>>
    %dma_wait3A_23 = arith.constant 0 : i32
    %dma_wait3A_24 = arith.constant 0 : i32
    %dma_wait3A_25 = tpu.memref_slice %arg2[%dma_wait3A_23, %dma_wait3A_24] : memref<50432x6144xf32, #tpu.memory_space<hbm>> -> memref<8x6144xf32, #tpu.memory_space<hbm>>
    tpu.wait_dma2 semaphore(%arg8 : memref<!tpu.dma_semaphore, #tpu.memory_space<semaphore_mem>>) src(%dma_wait3A_25 : memref<8x6144xf32, #tpu.memory_space<hbm>>) dst(%arg6 : memref<8x6144xf32, #tpu.memory_space<vmem>>)
    %add3A_26 = arith.constant 240 : i32
    %add3A_27 = arith.addi %mul3A_2, %add3A_26 : i32
    %dma_start3A_28 = arith.constant 0 : i32
    %dma_start3A_29 = tpu.memref_slice %arg4[%add3A_27, %dma_start3A_28] : memref<8192x6144xf32, #tpu.memory_space<hbm>> -> memref<8x6144xf32, #tpu.memory_space<hbm>>
    %dma_start3A_30 = arith.constant 0 : i32
    %dma_start3A_31 = tpu.memref_slice %arg4[%add3A_27, %dma_start3A_30] : memref<8192x6144xf32, #tpu.memory_space<hbm>> -> memref<8x6144xf32, #tpu.memory_space<hbm>>
    tpu.enqueue_dma source(%arg6 : memref<8x6144xf32, #tpu.memory_space<vmem>>) target(%dma_start3A_31 : memref<8x6144xf32, #tpu.memory_space<hbm>>) target_semaphore(%arg10 : memref<!tpu.dma_semaphore, #tpu.memory_space<semaphore_mem>>)
    %dma_wait3A_32 = arith.constant 0 : i32
    %dma_wait3A_33 = arith.constant 0 : i32
    %dma_wait3A_34 = tpu.memref_slice %arg2[%dma_wait3A_32, %dma_wait3A_33] : memref<50432x6144xf32, #tpu.memory_space<hbm>> -> memref<8x6144xf32, #tpu.memory_space<hbm>>
    %dma_wait3A_35 = arith.constant 0 : i32
    %dma_wait3A_36 = arith.constant 0 : i32
    %dma_wait3A_37 = tpu.memref_slice %arg2[%dma_wait3A_35, %dma_wait3A_36] : memref<50432x6144xf32, #tpu.memory_space<hbm>> -> memref<8x6144xf32, #tpu.memory_space<hbm>>
    tpu.wait_dma2 semaphore(%arg9 : memref<!tpu.dma_semaphore, #tpu.memory_space<semaphore_mem>>) src(%dma_wait3A_37 : memref<8x6144xf32, #tpu.memory_space<hbm>>) dst(%arg7 : memref<8x6144xf32, #tpu.memory_space<vmem>>)
    %add3A_38 = arith.constant 248 : i32
    %add3A_39 = arith.addi %mul3A_2, %add3A_38 : i32
    %dma_start3A_40 = arith.constant 0 : i32
    %dma_start3A_41 = tpu.memref_slice %arg4[%add3A_39, %dma_start3A_40] : memref<8192x6144xf32, #tpu.memory_space<hbm>> -> memref<8x6144xf32, #tpu.memory_space<hbm>>
    %dma_start3A_42 = arith.constant 0 : i32
    %dma_start3A_43 = tpu.memref_slice %arg4[%add3A_39, %dma_start3A_42] : memref<8192x6144xf32, #tpu.memory_space<hbm>> -> memref<8x6144xf32, #tpu.memory_space<hbm>>
    tpu.enqueue_dma source(%arg7 : memref<8x6144xf32, #tpu.memory_space<vmem>>) target(%dma_start3A_43 : memref<8x6144xf32, #tpu.memory_space<hbm>>) target_semaphore(%arg11 : memref<!tpu.dma_semaphore, #tpu.memory_space<semaphore_mem>>)
    %add3A_44 = arith.constant 240 : i32
    %add3A_45 = arith.addi %mul3A_2, %add3A_44 : i32
    %dma_wait3A_46 = arith.constant 0 : i32
    %dma_wait3A_47 = tpu.memref_slice %arg4[%add3A_45, %dma_wait3A_46] : memref<8192x6144xf32, #tpu.memory_space<hbm>> -> memref<8x6144xf32, #tpu.memory_space<hbm>>
    %dma_wait3A_48 = arith.constant 0 : i32
    %dma_wait3A_49 = tpu.memref_slice %arg4[%add3A_45, %dma_wait3A_48] : memref<8192x6144xf32, #tpu.memory_space<hbm>> -> memref<8x6144xf32, #tpu.memory_space<hbm>>
    tpu.wait_dma2 semaphore(%arg10 : memref<!tpu.dma_semaphore, #tpu.memory_space<semaphore_mem>>) src(%arg6 : memref<8x6144xf32, #tpu.memory_space<vmem>>) dst(%dma_wait3A_49 : memref<8x6144xf32, #tpu.memory_space<hbm>>)
    %add3A_50 = arith.constant 248 : i32
    %add3A_51 = arith.addi %mul3A_2, %add3A_50 : i32
    %dma_wait3A_52 = arith.constant 0 : i32
    %dma_wait3A_53 = tpu.memref_slice %arg4[%add3A_51, %dma_wait3A_52] : memref<8192x6144xf32, #tpu.memory_space<hbm>> -> memref<8x6144xf32, #tpu.memory_space<hbm>>
    %dma_wait3A_54 = arith.constant 0 : i32
    %dma_wait3A_55 = tpu.memref_slice %arg4[%add3A_51, %dma_wait3A_54] : memref<8192x6144xf32, #tpu.memory_space<hbm>> -> memref<8x6144xf32, #tpu.memory_space<hbm>>
    tpu.wait_dma2 semaphore(%arg11 : memref<!tpu.dma_semaphore, #tpu.memory_space<semaphore_mem>>) src(%arg7 : memref<8x6144xf32, #tpu.memory_space<vmem>>) dst(%dma_wait3A_55 : memref<8x6144xf32, #tpu.memory_space<hbm>>)
    return
  }
}

</mosaic_0001>

<sc_bundles>
// kernel: _gather_rows.3.cloned.1.call-start
scs
__scs_entry_jumppad:
0x0: {  	(pc) =	sbr.rel $0x88, $3  }
0x1: {  	(tag) =	ssettag $0x0;
	lr =	simm.s32 $0x1  }
0x2: {  	[smem:$0x3F9F] =	sst lr;
	_ =	strace $0xD0000000  }
0x3: {  	_ = 	snop  }
0x4: {  	_ = 	snop  }
0x5: {  	_ = 	snop  }
0x6: {  	_ = 	snop  }
0x7: {  	_ = 	snop  }
__scs_overlays_trampoline_lowered:
0x8: {  	[smem:$0x3FAE] =	sst s0  }
0x9: {  	[smem:$0x3FAF] =	sst s1  }
0xa: {  	[smem:$0x3FB0] =	sst s2  }
0xb: {  	[smem:$0x3FB1] =	sst s3  }
0xc: {  	[smem:$0x3FB2] =	sst s4  }
0xd: {  	[smem:$0x3FB3] =	sst s5  }
0xe: {  	[smem:$0x3FB4] =	sst s6  }
0xf: {  	[smem:$0x3FB5] =	sst s7  }
0x10: {  	[smem:$0x3FB6] =	sst s8  }
0x11: {  	[smem:$0x3FB7] =	sst s9;
	s0 =	simm.s32 @!p0 $0x0  }
0x12: {  	s1 =	sld [smem:$0x3F9D];
	s0 =	simm.s32 @p0 $0x1  }
0x13: {  	[smem:$0x3FB8] =	sst s0;
	s0 =	simm.s32 @!p1 $0x0  }
0x14: {  	s2 =	sld [smem:$0x3F9C];
	s0 =	simm.s32 @p1 $0x1  }
0x15: {  	[smem:$0x3FB9] =	sst s0;
	s0 =	simm.s32 @!p2 $0x0  }
0x16: {  	s3 =	sld [smem:$0x3FDB];
	s0 =	simm.s32 @p2 $0x1  }
0x17: {  	s4 =	simm.s32 $0x1BF5;
	[smem:$0x3FBB] =	sst s0  }
0x18: {  	s0 =	sld [smem:$0x3F9E];
	_ =	swait.ge [sflag:s4], $0x0  }
0x19: {  	s7 =	sld [smem:$0x3F9F]  }
0x1a: {  	s8 =	sadd.s32 $0xFFFFE003, lr  }
0x1b: {  	s9 =	sadd.s32 $0xFFFFFEF7, lr;
	s5 =	simm.s32 $0xFFFFFFFF;
	p2 =	slt.u32 s8, $0xFFFFF086  }
0x1c: {  	p1 =	slt.u32 s9, $0xF7A;
	s5 =	simm.s32 @!p2 $0x0  }
0x1d: {  	s5 =	simm.s32 @p1 $0x1;
	p0 =	seq.s32 s7, s2  }
0x1e: {  	s7 =	smul.u32 @!p0 $0xF7A, s2;
	p2 =	seq.s32 @!p0 s5, $0x0  }
0x1f: {  	s9 =	smul.u32 $0xF7A, s1;
	s8 =	simm.s32 @!p0 $0x1BF5;
	p2 =	por !p2, p0  }
0x20: {  	[sflag:s8] =	ssyncset.s32 @!p0 $0xFFFFF086;
	s6 =	sadd.s32 @!p0 s3, s7;
	s7 =	simm.s32 @!p0 $0x108  }
0x21: {  	s3 =	sadd.s32 s3, s9;
	s6 =	sadd.s32 @!p0 $0x88, s6;
	s7 =	simm.s32 @p2 $0x1082  }
0x22: {  	[simem:s7], [sflag:s8] =	dma.local @!p0 [hbm:s6], $0xF7A  }
0x23: {  	s9 =	sor.u32 $0xD0000000, s2;
	s6 =	simm.s32 $0x108;
	_ =	swait.ge @!p0 [sflag:s8], $0x0  }
0x24: {  	s3 =	sadd.s32 $0x88, s3;
	s6 =	simm.s32 @!p1 $0x1082;
	[sflag:s4] =	ssyncset.s32 $0xFFFFF086  }
0x25: {  	[simem:s6], [sflag:s4] =	dma.local [hbm:s3], $0xF7A  }
0x26: {  	[smem:$0x3F9F] =	sst s1;
	(tag) =	ssettag s2;
	_ =	strace s9  }
0x27: {  	s1 =	sld [smem:$0x3FAF]  }
0x28: {  	s2 =	sld [smem:$0x3FB0]  }
0x29: {  	s4 =	sld [smem:$0x3FB2]  }
0x2a: {  	p0 =	seq.s32 s5, $0x0;
	s5 =	sld [smem:$0x3FB3]  }
0x2b: {  	s6 =	sld [smem:$0x3FB4]  }
0x2c: {  	s7 =	sld [smem:$0x3FB5]  }
0x2d: {  	s3 =	simm.s32 $0x108;
	s8 =	sld [smem:$0x3FB6]  }
0x2e: {  	s3 =	simm.s32 @!p0 $0x1082;
	s9 =	sld [smem:$0x3FB7]  }
0x2f: {  	lr =	sadd.s32 s0, s3;
	s0 =	sld [smem:$0x3FAE]  }
0x30: {  	s3 =	sld [smem:$0x3FB1]  }
0x31: {  	[smem:$0x3FBA] =	sst s10  }
0x32: {  	s10 =	sld [smem:$0x3FB8];
	_ =	sdelay $0x3  }
0x33: {  	p0 =	seq.s32 s10, $0x1;
	s10 =	sld [smem:$0x3FBA];
	_ =	sdelay $0x3  }
0x34: {  	[smem:$0x3FBA] =	sst s10  }
0x35: {  	s10 =	sld [smem:$0x3FB9];
	_ =	sdelay $0x3  }
0x36: {  	p1 =	seq.s32 s10, $0x1;
	s10 =	sld [smem:$0x3FBA];
	_ =	sdelay $0x3  }
0x37: {  	[smem:$0x3FBA] =	sst s10  }
0x38: {  	s10 =	sld [smem:$0x3FBB]  }
0x39: {  	_ = 	snop;
	(pc) =	sbr.ind lr, $3  }
0x3a: {  	_ = 	snop  }
0x3b: {  	_ = 	snop  }
0x3c: {  	p2 =	seq.s32 s10, $0x1;
	s10 =	sld [smem:$0x3FBA]  }
0x3d: {  	_ =	shalt  }
0x3e: {  	_ =	shalt  }
0x3f: {  	_ =	shalt  }
0x40: {  	_ =	shalt  }
0x41: {  	_ =	shalt  }
0x42: {  	_ =	shalt  }
0x43: {  	_ =	shalt  }
0x44: {  	_ =	shalt  }
0x45: {  	_ =	shalt  }
0x46: {  	_ =	shalt  }
0x47: {  	_ =	shalt  }
0x48: {  	_ =	shalt  }
0x49: {  	_ =	shalt  }
0x4a: {  	_ =	shalt  }
0x4b: {  	_ =	shalt  }
0x4c: {  	_ =	shalt  }
0x4d: {  	_ =	shalt  }
0x4e: {  	_ =	shalt  }
0x4f: {  	_ =	shalt  }
0x50: {  	_ =	shalt  }
0x51: {  	_ =	shalt  }
0x52: {  	_ =	shalt  }
0x53: {  	_ =	shalt  }
0x54: {  	_ =	shalt  }
0x55: {  	_ =	shalt  }
0x56: {  	_ =	shalt  }
0x57: {  	_ =	shalt  }
0x58: {  	_ =	shalt  }
0x59: {  	_ =	shalt  }
0x5a: {  	_ =	shalt  }
0x5b: {  	_ =	shalt  }
0x5c: {  	_ =	shalt  }
0x5d: {  	_ =	shalt  }
0x5e: {  	_ =	shalt  }
0x5f: {  	_ =	shalt  }
0x60: {  	_ =	shalt  }
0x61: {  	_ =	shalt  }
0x62: {  	_ =	shalt  }
0x63: {  	_ =	shalt  }
0x64: {  	_ =	shalt  }
0x65: {  	_ =	shalt  }
0x66: {  	_ =	shalt  }
0x67: {  	_ =	shalt  }
0x68: {  	_ =	shalt  }
0x69: {  	_ =	shalt  }
0x6a: {  	_ =	shalt  }
0x6b: {  	_ =	shalt  }
0x6c: {  	_ =	shalt  }
0x6d: {  	_ =	shalt  }
0x6e: {  	_ =	shalt  }
0x6f: {  	_ =	shalt  }
0x70: {  	_ =	shalt  }
0x71: {  	_ =	shalt  }
0x72: {  	_ =	shalt  }
0x73: {  	_ =	shalt  }
0x74: {  	_ =	shalt  }
0x75: {  	_ =	shalt  }
0x76: {  	_ =	shalt  }
0x77: {  	_ =	shalt  }
0x78: {  	_ =	shalt  }
0x79: {  	_ =	shalt  }
0x7a: {  	_ =	shalt  }
0x7b: {  	_ =	shalt  }
0x7c: {  	_ =	shalt  }
0x7d: {  	_ =	shalt  }
0x7e: {  	_ =	shalt  }
0x7f: {  	_ =	shalt  }
0x80: {  	_ =	shalt  }
0x81: {  	_ =	shalt  }
0x82: {  	_ =	shalt  }
0x83: {  	_ =	shalt  }
0x84: {  	_ =	shalt  }
0x85: {  	_ =	shalt  }
0x86: {  	_ =	shalt  }
0x87: {  	_ =	shalt  }
.Lfunc_end0:
.L_simem_size_0:
called_computation_lowered:
.L_overlay_start_0:
0x88: {  	s2 =	sld [smem:$0x3FD9]  }
0x89: {  	s3 =	sld [smem:$0x3FFE];
	_ =	sdelay $0x1  }
0x8a: {  	s1 =	srdreg.scid  }
0x8b: {  	s0 =	sand.u32 $0x1, s1  }
0x8c: {  	s17 =	sshll.u32 s0, $0xA;
	s2 =	sadd.s32 s3, s2  }
0x8d: {  	s2 =	sadd.s32 s2, s17  }
0x8e: {  	[smem:$0x3FC6] =	sst s2  }
0x8f: {  	_ = 	snop  }
0x90: {  	s2 =	sld [smem:$0x3FC9]  }
0x91: {  	s18 =	sld [smem:$0x3FD0];
	(tm) =	ssettm $0x1  }
0x92: {  	s4 =	sld [smem:$0x3FFB];
	_ =	sdelay $0x3  }
0x93: {  	_ =	strace s4  }
0x94: {  	s4 =	sld [smem:$0x3FFC];
	_ =	sdelay $0x3  }
0x95: {  	_ =	strace s4  }
0x96: {  	s4 =	sld [smem:$0x3FFD];
	_ =	sdelay $0x3  }
0x97: {  	_ =	strace s4  }
0x98: {  	_ =	strace $0x8FFFFFFF  }
0x99: {  	s19 =	sld [smem:$0x3FDB];
	_ =	sdelay $0x1  }
0x9a: {  	s5 =	simm.s32 $_scs_section_size  }
0x9b: {  	s6 =	simm.s32 $_size__tile_overlayer_lowered;
	s7 =	simm.s32 $_tile_overlayer_lowered  }
0x9c: {  	s22 =	simm.s32 $0x1BFF;
	s21 =	sshll.u32 s7, $0x1;
	s4 =	sadd.s32 s5, s19  }
0x9d: {  	s8 =	simm.s32 $0x0;
	s20 =	sshll.u32 s6, $0x1;
	s6 =	sadd.s32 s21, s4  }
0x9e: {  	[timem:s8], [sflag:s22] =	dma.local [hbm:s6], s20  }
0x9f: {  	_ =	swait.ge [sflag:s22], s20  }
0xa0: {  	s5 =	ssub.s32 $0x0, s20;
	[sflag:s22] =	ssyncset.done $0x0  }
0xa1: {  	[sflag:s22] =	ssyncadd.s32 s5;
	_ =	sdelay $0x1  }
0xa2: {  	s23 =	simm.s32 $0x1B8B  }
0xa3: {  	_ =	swait.ge [sflag:s23], $0x1  }
0xa4: {  	[sflag:s23] =	ssyncset.done $0x0  }
0xa5: {  	s25 =	simm.s32 $0x1B8E;
	s24 =	sld [smem:$0x3FFE];
	[sflag:s23] =	ssyncadd.s32 $0xFFFFFFFF  }
0xa6: {  	s26 =	simm.s32 $execute0_lowered;
	[smem:$0x3FD2] =	sst s25  }
0xa7: {  	s6 =	sshll.u32 s26, $0x1;
	_ =	strace $0x80000046;
	[dreg:$0x1] =	wrdreg $0xFFFFFFFF  }
0xa8: {  	s28 =	simm.s32 $_size_execute0_lowered;
	s4 =	sadd.s32 s4, s6;
	[dreg:$0x0] =	wrdreg $0x0  }
0xa9: {  	s6 =	sshll.u32 s28, $0x1;
	[dreg:$0x2] =	wrdreg s4  }
0xaa: {  	[dreg:$0x3] =	wrdreg s6  }
0xab: {  	[dreg:$0x4] =	wrdreg $0xC0  }
0xac: {  	_ =	task [dreg:s8], $0x5FFFF  }
0xad: {  	[dreg:$0x1] =	wrdreg $0xFFFFFFFF  }
0xae: {  	[dreg:$0x0] =	wrdreg $0x60  }
0xaf: {  	[dreg:$0x2] =	wrdreg s2  }
0xb0: {  	[dreg:$0x3] =	wrdreg s24  }
0xb1: {  	[dreg:$0x4] =	wrdreg s18  }
0xb2: {  	[dreg:$0x5] =	wrdreg $0x9  }
0xb3: {  	_ =	task.clear_ibuf [dreg:s8], $0x6FFFF;
	_ =	strace $0x90000046  }
0xb4: {  	s29 =	simm.s32 $0x9;
	_ =	strace $0x80000048  }
0xb5: {  	_ =	swait.ge [sflag:s29], $0x1  }
0xb6: {  	[sflag:s29] =	ssyncadd.s32 $0xFFFFFFFF  }
0xb7: {  	_ =	strace $0x90000048  }
0xb8: {  	_ =	sfence  }
0xb9: {  	s30 =	sld [smem:$0x0];
	_ =	sdelay $0x2  }
0xba: {  	s31 =	sshll.u32 s1, $0xD;
	s1 =	sshrl.u32 s1, $0x2  }
0xbb: {  	s3 =	sand.u32 $0x4000, s31;
	s1 =	sadd.s32 s1, s30  }
0xbc: {  	s0 =	sor.u32 s3, s0;
	s1 =	sshll.u32 s1, $0x11  }
0xbd: {  	s0 =	sor.u32 s1, s0  }
0xbe: {  	s0 =	sadd.s32 $0x8F2B, s0  }
0xbf: {  	[sflag:s0] =	ssyncadd.remote.s32 $0x1  }
0xc0: {  	_ =	sfence.sel $0xFFFF  }
0xc1: {  	[dreg:$0x0] =	wrdreg $0xFFFFFFFF;
	(pc) =	sbr.abs _section_cstart, $3  }
0xc2: {  	[dreg:$0x1] =	wrdreg $0xFFFFFFFF  }
0xc3: {  	_ =	task.clear_ibuf [dreg:s8], $0x2FFFF;
	_ =	strace $0x9FFFFFFF  }
0xc4: {  	(tm) =	ssettm $0x7FFFFFFF  }
0xc5: {  	_ =	shalt  }
tec
execute0_lowered:
.L_overlay_start_1:
0x0: {  	(tag) =	ssettag $0x1  }
0x1: {  	s8 =	rddreg [dreg:$0x0]  }
0x2: {  	s0 =	rddreg [dreg:$0x1]  }
0x3: {  	s1 =	rddreg [dreg:$0x2]  }
0x4: {  	s2 =	srdreg.scid;
	s14 =	stileid.u32;
	s3 =	simm.s32 $0x0  }
0x5: {  	s19 =	simm.s32 $0x1000;
	s2 =	sand.u32 $0x1, s2;
	s4 =	sshll.u32 s14, $0x1  }
0x6: {  	[smem:$0x7FF] =	sst s3;
	s20 =	sshll.u32 s14, $0x9;
	s4 =	sor.u32 s2, s4  }
0x7: {  	s5 =	ssub.s32 $0x2, s2;
	_ =	strace $0x80000047;
	s2 =	sshll.u32 s2, $0x8  }
0x8: {  	s6 =	sshll.u32 s4, $0x9;
	s7 =	sshrl.u32 s5, $0x1;
	s21 =	smul.u32 $0x180000, s4  }
0x9: {  	s4 =	simm.s32 $0x2000;
	s0 =	sadd.s32 s6, s0;
	s22 =	ssub.s32 s5, s7  }
0xa: {  	s5 =	smov.u32 s8;
	s6 =	sadd.s32 $0x100, s8;
	s7 =	sadd.s32 $0x200, s8  }
0xb: {  	s8 =	sadd.s32 $0x300, s8;
	s0 =	sadd.s32 $0x400, s0;
	s9 =	sadd.s32 $0x400, s5  }
0xc: {  	s10 =	sadd.s32 $0x500, s5;
	s11 =	sadd.s32 $0x600, s5;
	s12 =	sadd.s32 $0x700, s5  }
0xd: {  	s13 =	sadd.s32 $0x800, s5;
	s15 =	sadd.s32 $0x900, s5;
	s16 =	sadd.s32 $0xB00, s5  }
0xe: {  	s17 =	sadd.s32 $0xC00, s5;
	s23 =	sadd.s32 $0xD00, s5;
	s18 =	sadd.s32 $0xE00, s5  }
0xf: {  	s25 =	sadd.s32 $0xF00, s5;
	s28 =	sadd.s32 $0x1300, s5;
	s29 =	sadd.s32 $0x1400, s5  }
0x10: {  	s30 =	sadd.s32 $0x1500, s5;
	s31 =	sadd.s32 $0x1600, s5;
	[dreg:$0x4] =	wrdreg s0  }
0x11: {  	s14 =	smov.u32 s15;
	s0 =	sor.u32 s2, s20;
	s2 =	sshrl.u32 s21, $0x3  }
0x12: {  	s15 =	sadd.s32 $0xA00, s5;
	s20 =	sadd.s32 $0x1000, s5;
	s2 =	sadd.s32 s1, s2  }
0x13: {  	s21 =	sadd.s32 $0x1100, s5;
	s0 =	sshrl.u32 s0, $0x3;
	s24 =	sadd.s32 $0x2D000, s2  }
0x14: {  	s0 =	smul.u32 $0x1800, s0;
	s26 =	sadd.s32 $0x2E800, s2;
	[dreg:$0x6] =	wrdreg s24  }
0x15: {  	s2 =	simm.s32 $0x0;
	[dreg:$0x7] =	wrdreg s26;
	s26 =	sadd.s32 $0x1200, s5  }
0x16: {  	v0 =	vlaneseq.u32;
	s24 =	simm.s32 $0xD800;
	[dreg:$0x9] =	wrdreg s2;
	s0 =	sadd.s32 s0, s1  }
0x17: {  	v1 =	vshrl.u32 v0, $0x3;
	s1 =	smax.u32 s22, $0x1;
	s22 =	smov.u32 s23;
	[dreg:$0x5] =	wrdreg s0  }
0x18: {  	vm0 =	vmmov $0xffff;
	v0 =	vand.u32 $0x7, v0;
	v1 =	vmul.u32 $0x8, v1;
	s23 =	simm.s32 $0xD000;
	[dreg:$0x8] =	wrdreg s1;
	s0 =	sadd.s32 $0x1700, s5  }
.LBB2_1:
0x19: {  	s2 =	rddreg [dreg:$0x4];
	s1 =	simm.s32 $0x5  }
0x1a: {  	[tilespmem:s3], [sflag:$0x5] =	stream.linear.gather [hbm4b:s2+s3], $0x1000, $0x38;
	[tilespmem:$0x19000] =	vst v63  }
0x1b: {  	_ =	swait.ge [sflag:s1], $0x1000  }
0x1c: {  	[sflag:s1] =	ssyncset.done $0x0  }
0x1d: {  	[sflag:s1] =	ssyncadd.s32 $0xFFFFF000  }
0x1e: {  	v2 =	vld.msk [tilespmem:$0x0], $0xff;
	_ =	sdelay $0x4  }
0x1f: {  	v3 =	vshrl.u32 v2, $0x3  }
0x20: {  	v3 =	vmul.u32 $0x180, v3  }
0x21: {  	v2 =	vand.u32 $0x7, v2  }
0x22: {  	v2 =	vor.u32 v2, v3  }
0x23: {  	v2 =	vperm.xlane v2, v0;
	_ =	sdelay $0x1  }
0x24: {  	v2 =	vadd.s32 v1, v2;
	_ =	sdelay $0x4  }
0x25: {  	[tilespmem:s19], [sflag:$0x1] =	stream.indirect_vreg.gather [hbm4b:s5+s3], $0x80, v2, vm0, $0xb8;
	[tilespmem:$0x19000] =	vst v63  }
0x26: {  	s19 =	simm.s32 $0x1800  }
0x27: {  	[tilespmem:s19], [sflag:$0x1] =	stream.indirect_vreg.gather [hbm4b:s6+s3], $0x80, v2, vm0, $0xb8;
	[tilespmem:$0x19000] =	vst v63  }
0x28: {  	_ = 	snop  }
0x29: {  	[tilespmem:s4], [sflag:$0x1] =	stream.indirect_vreg.gather [hbm4b:s7+s3], $0x80, v2, vm0, $0xb8;
	[tilespmem:$0x19000] =	vst v63  }
0x2a: {  	s2 =	simm.s32 $0x2800  }
0x2b: {  	[tilespmem:s2], [sflag:$0x1] =	stream.indirect_vreg.gather [hbm4b:s8+s3], $0x80, v2, vm0, $0xb8;
	[tilespmem:$0x19000] =	vst v63  }
0x2c: {  	s4 =	simm.s32 $0x3000  }
0x2d: {  	[tilespmem:s4], [sflag:$0x1] =	stream.indirect_vreg.gather [hbm4b:s9+s3], $0x80, v2, vm0, $0xb8;
	[tilespmem:$0x19000] =	vst v63  }
0x2e: {  	s19 =	simm.s32 $0x3800  }
0x2f: {  	[tilespmem:s19], [sflag:$0x1] =	stream.indirect_vreg.gather [hbm4b:s10+s3], $0x80, v2, vm0, $0xb8;
	[tilespmem:$0x19000] =	vst v63  }
0x30: {  	s2 =	simm.s32 $0x4000  }
0x31: {  	[tilespmem:s2], [sflag:$0x1] =	stream.indirect_vreg.gather [hbm4b:s11+s3], $0x80, v2, vm0, $0xb8;
	[tilespmem:$0x19000] =	vst v63  }
0x32: {  	s4 =	simm.s32 $0x4800  }
0x33: {  	[tilespmem:s4], [sflag:$0x1] =	stream.indirect_vreg.gather [hbm4b:s12+s3], $0x80, v2, vm0, $0xb8;
	[tilespmem:$0x19000] =	vst v63  }
0x34: {  	s19 =	simm.s32 $0x5000  }
0x35: {  	[tilespmem:s19], [sflag:$0x1] =	stream.indirect_vreg.gather [hbm4b:s13+s3], $0x80, v2, vm0, $0xb8;
	[tilespmem:$0x19000] =	vst v63  }
0x36: {  	s2 =	simm.s32 $0x5800  }
0x37: {  	[tilespmem:s2], [sflag:$0x1] =	stream.indirect_vreg.gather [hbm4b:s14+s3], $0x80, v2, vm0, $0xb8;
	[tilespmem:$0x19000] =	vst v63  }
0x38: {  	s4 =	simm.s32 $0x6000  }
0x39: {  	[tilespmem:s4], [sflag:$0x1] =	stream.indirect_vreg.gather [hbm4b:s15+s3], $0x80, v2, vm0, $0xb8;
	[tilespmem:$0x19000] =	vst v63  }
0x3a: {  	s19 =	simm.s32 $0x6800  }
0x3b: {  	[tilespmem:s19], [sflag:$0x1] =	stream.indirect_vreg.gather [hbm4b:s16+s3], $0x80, v2, vm0, $0xb8;
	[tilespmem:$0x19000] =	vst v63  }
0x3c: {  	s2 =	simm.s32 $0x7000  }
0x3d: {  	[tilespmem:s2], [sflag:$0x1] =	stream.indirect_vreg.gather [hbm4b:s17+s3], $0x80, v2, vm0, $0xb8;
	[tilespmem:$0x19000] =	vst v63  }
0x3e: {  	s4 =	simm.s32 $0x7800  }
0x3f: {  	[tilespmem:s4], [sflag:$0x1] =	stream.indirect_vreg.gather [hbm4b:s22+s3], $0x80, v2, vm0, $0xb8;
	[tilespmem:$0x19000] =	vst v63  }
0x40: {  	s19 =	simm.s32 $0x8000  }
0x41: {  	[tilespmem:s19], [sflag:$0x1] =	stream.indirect_vreg.gather [hbm4b:s18+s3], $0x80, v2, vm0, $0xb8;
	[tilespmem:$0x19000] =	vst v63  }
0x42: {  	s2 =	simm.s32 $0x8800  }
0x43: {  	[tilespmem:s2], [sflag:$0x1] =	stream.indirect_vreg.gather [hbm4b:s25+s3], $0x80, v2, vm0, $0xb8;
	[tilespmem:$0x19000] =	vst v63  }
0x44: {  	s4 =	simm.s32 $0x9000  }
0x45: {  	[tilespmem:s4], [sflag:$0x1] =	stream.indirect_vreg.gather [hbm4b:s20+s3], $0x80, v2, vm0, $0xb8;
	[tilespmem:$0x19000] =	vst v63  }
0x46: {  	s19 =	simm.s32 $0x9800  }
0x47: {  	[tilespmem:s19], [sflag:$0x1] =	stream.indirect_vreg.gather [hbm4b:s21+s3], $0x80, v2, vm0, $0xb8;
	[tilespmem:$0x19000] =	vst v63  }
0x48: {  	s2 =	simm.s32 $0xA000  }
0x49: {  	[tilespmem:s2], [sflag:$0x1] =	stream.indirect_vreg.gather [hbm4b:s26+s3], $0x80, v2, vm0, $0xb8;
	[tilespmem:$0x19000] =	vst v63  }
0x4a: {  	s4 =	simm.s32 $0xA800  }
0x4b: {  	[tilespmem:s4], [sflag:$0x1] =	stream.indirect_vreg.gather [hbm4b:s28+s3], $0x80, v2, vm0, $0xb8;
	[tilespmem:$0x19000] =	vst v63  }
0x4c: {  	s19 =	simm.s32 $0xB000  }
0x4d: {  	[tilespmem:s19], [sflag:$0x1] =	stream.indirect_vreg.gather [hbm4b:s29+s3], $0x80, v2, vm0, $0xb8;
	[tilespmem:$0x19000] =	vst v63  }
0x4e: {  	s2 =	simm.s32 $0xB800  }
0x4f: {  	[tilespmem:s2], [sflag:$0x1] =	stream.indirect_vreg.gather [hbm4b:s30+s3], $0x80, v2, vm0, $0xb8;
	[tilespmem:$0x19000] =	vst v63  }
0x50: {  	s4 =	simm.s32 $0xC000  }
0x51: {  	[tilespmem:s4], [sflag:$0x1] =	stream.indirect_vreg.gather [hbm4b:s31+s3], $0x80, v2, vm0, $0xb8;
	[tilespmem:$0x19000] =	vst v63  }
0x52: {  	s19 =	simm.s32 $0xC800  }
0x53: {  	[tilespmem:s19], [sflag:$0x1] =	stream.indirect_vreg.gather [hbm4b:s0+s3], $0x80, v2, vm0, $0xb8;
	[tilespmem:$0x19000] =	vst v63  }
0x54: {  	v2 =	vld.msk [tilespmem:$0x80], $0xff;
	_ =	sdelay $0x4  }
0x55: {  	v3 =	vshrl.u32 v2, $0x3  }
0x56: {  	v3 =	vmul.u32 $0x180, v3  }
0x57: {  	v2 =	vand.u32 $0x7, v2  }
0x58: {  	v2 =	vor.u32 v2, v3  }
0x59: {  	v2 =	vperm.xlane v2, v0;
	_ =	sdelay $0x1  }
0x5a: {  	v2 =	vadd.s32 v1, v2;
	_ =	sdelay $0x4  }
0x5b: {  	[tilespmem:s23], [sflag:$0x2] =	stream.indirect_vreg.gather [hbm4b:s5+s3], $0x80, v2, vm0, $0xb8;
	[tilespmem:$0x19000] =	vst v63  }
0x5c: {  	_ = 	snop  }
0x5d: {  	[tilespmem:s24], [sflag:$0x2] =	stream.indirect_vreg.gather [hbm4b:s6+s3], $0x80, v2, vm0, $0xb8;
	[tilespmem:$0x19000] =	vst v63  }
0x5e: {  	s23 =	simm.s32 $0xE000  }
0x5f: {  	[tilespmem:s23], [sflag:$0x2] =	stream.indirect_vreg.gather [hbm4b:s7+s3], $0x80, v2, vm0, $0xb8;
	[tilespmem:$0x19000] =	vst v63  }
0x60: {  	s24 =	simm.s32 $0xE800  }
0x61: {  	[tilespmem:s24], [sflag:$0x2] =	stream.indirect_vreg.gather [hbm4b:s8+s3], $0x80, v2, vm0, $0xb8;
	[tilespmem:$0x19000] =	vst v63  }
0x62: {  	s2 =	simm.s32 $0xF000  }
0x63: {  	[tilespmem:s2], [sflag:$0x2] =	stream.indirect_vreg.gather [hbm4b:s9+s3], $0x80, v2, vm0, $0xb8;
	[tilespmem:$0x19000] =	vst v63  }
0x64: {  	s4 =	simm.s32 $0xF800  }
0x65: {  	[tilespmem:s4], [sflag:$0x2] =	stream.indirect_vreg.gather [hbm4b:s10+s3], $0x80, v2, vm0, $0xb8;
	[tilespmem:$0x19000] =	vst v63  }
0x66: {  	s19 =	simm.s32 $0x10000  }
0x67: {  	[tilespmem:s19], [sflag:$0x2] =	stream.indirect_vreg.gather [hbm4b:s11+s3], $0x80, v2, vm0, $0xb8;
	[tilespmem:$0x19000] =	vst v63  }
0x68: {  	s23 =	simm.s32 $0x10800  }
0x69: {  	[tilespmem:s23], [sflag:$0x2] =	stream.indirect_vreg.gather [hbm4b:s12+s3], $0x80, v2, vm0, $0xb8;
	[tilespmem:$0x19000] =	vst v63  }
0x6a: {  	s24 =	simm.s32 $0x11000  }
0x6b: {  	[tilespmem:s24], [sflag:$0x2] =	stream.indirect_vreg.gather [hbm4b:s13+s3], $0x80, v2, vm0, $0xb8;
	[tilespmem:$0x19000] =	vst v63  }
0x6c: {  	s2 =	simm.s32 $0x11800  }
0x6d: {  	[tilespmem:s2], [sflag:$0x2] =	stream.indirect_vreg.gather [hbm4b:s14+s3], $0x80, v2, vm0, $0xb8;
	[tilespmem:$0x19000] =	vst v63  }
0x6e: {  	s4 =	simm.s32 $0x12000  }
0x6f: {  	[tilespmem:s4], [sflag:$0x2] =	stream.indirect_vreg.gather [hbm4b:s15+s3], $0x80, v2, vm0, $0xb8;
	[tilespmem:$0x19000] =	vst v63  }
0x70: {  	s19 =	simm.s32 $0x12800  }
0x71: {  	[tilespmem:s19], [sflag:$0x2] =	stream.indirect_vreg.gather [hbm4b:s16+s3], $0x80, v2, vm0, $0xb8;
	[tilespmem:$0x19000] =	vst v63  }
0x72: {  	s23 =	simm.s32 $0x13000  }
0x73: {  	[tilespmem:s23], [sflag:$0x2] =	stream.indirect_vreg.gather [hbm4b:s17+s3], $0x80, v2, vm0, $0xb8;
	[tilespmem:$0x19000] =	vst v63  }
0x74: {  	s24 =	simm.s32 $0x13800  }
0x75: {  	[tilespmem:s24], [sflag:$0x2] =	stream.indirect_vreg.gather [hbm4b:s22+s3], $0x80, v2, vm0, $0xb8;
	[tilespmem:$0x19000] =	vst v63  }
0x76: {  	s2 =	simm.s32 $0x14000  }
0x77: {  	[tilespmem:s2], [sflag:$0x2] =	stream.indirect_vreg.gather [hbm4b:s18+s3], $0x80, v2, vm0, $0xb8;
	[tilespmem:$0x19000] =	vst v63  }
0x78: {  	s4 =	simm.s32 $0x14800  }
0x79: {  	[tilespmem:s4], [sflag:$0x2] =	stream.indirect_vreg.gather [hbm4b:s25+s3], $0x80, v2, vm0, $0xb8;
	[tilespmem:$0x19000] =	vst v63  }
0x7a: {  	s19 =	simm.s32 $0x15000  }
0x7b: {  	[tilespmem:s19], [sflag:$0x2] =	stream.indirect_vreg.gather [hbm4b:s20+s3], $0x80, v2, vm0, $0xb8;
	[tilespmem:$0x19000] =	vst v63  }
0x7c: {  	s23 =	simm.s32 $0x15800  }
0x7d: {  	[tilespmem:s23], [sflag:$0x2] =	stream.indirect_vreg.gather [hbm4b:s21+s3], $0x80, v2, vm0, $0xb8;
	[tilespmem:$0x19000] =	vst v63  }
0x7e: {  	s24 =	simm.s32 $0x16000  }
0x7f: {  	[tilespmem:s24], [sflag:$0x2] =	stream.indirect_vreg.gather [hbm4b:s26+s3], $0x80, v2, vm0, $0xb8;
	[tilespmem:$0x19000] =	vst v63  }
0x80: {  	s2 =	simm.s32 $0x16800  }
0x81: {  	[tilespmem:s2], [sflag:$0x2] =	stream.indirect_vreg.gather [hbm4b:s28+s3], $0x80, v2, vm0, $0xb8;
	[tilespmem:$0x19000] =	vst v63  }
0x82: {  	s4 =	simm.s32 $0x17000  }
0x83: {  	[tilespmem:s4], [sflag:$0x2] =	stream.indirect_vreg.gather [hbm4b:s29+s3], $0x80, v2, vm0, $0xb8;
	[tilespmem:$0x19000] =	vst v63  }
0x84: {  	s19 =	simm.s32 $0x17800  }
0x85: {  	[tilespmem:s19], [sflag:$0x2] =	stream.indirect_vreg.gather [hbm4b:s30+s3], $0x80, v2, vm0, $0xb8;
	[tilespmem:$0x19000] =	vst v63  }
0x86: {  	s23 =	simm.s32 $0x18000  }
0x87: {  	[tilespmem:s23], [sflag:$0x2] =	stream.indirect_vreg.gather [hbm4b:s31+s3], $0x80, v2, vm0, $0xb8;
	[tilespmem:$0x19000] =	vst v63  }
0x88: {  	s24 =	simm.s32 $0x18800;
	s2 =	rddreg [dreg:$0x5];
	s4 =	simm.s32 $0x0  }
0x89: {  	[tilespmem:s24], [sflag:$0x2] =	stream.indirect_vreg.gather [hbm4b:s0+s3], $0x80, v2, vm0, $0xb8;
	[tilespmem:$0x19000] =	vst v63  }
.LBB2_2:
0x8a: {  	s1 =	simm.s32 $0x1  }
0x8b: {  	_ =	swait.ge [sflag:s1], $0xC000  }
0x8c: {  	[sflag:s1] =	ssyncset.done $0x0  }
0x8d: {  	s24 =	simm.s32 $0x1000;
	s19 =	simm.s32 $0x3;
	[sflag:s1] =	ssyncadd.s32 $0xFFFF4000  }
0x8e: {  	[hbm4b:s2+s3] =	stream.linear.scatter [tilespmem:s24], [sflag:$0x3], $0xC000, $0x38;
	[tilespmem:$0x19000] =	vst v63  }
0x8f: {  	_ =	swait.ge [sflag:s19], $0xC000  }
0x90: {  	s23 =	smov.u32 s21;
	s21 =	smov.u32 s20;
	[sflag:s19] =	ssyncset.done $0x0  }
0x91: {  	s20 =	smov.u32 s25;
	s25 =	sshra.s32 s4, $0x2;
	[sflag:s19] =	ssyncadd.s32 $0xFFFF4000  }
0x92: {  	v2 =	vld.msk [tilespmem:s25+$0x100], $0xff;
	_ =	sdelay $0x4  }
0x93: {  	v3 =	vshrl.u32 v2, $0x3  }
0x94: {  	v3 =	vmul.u32 $0x180, v3  }
0x95: {  	v2 =	vand.u32 $0x7, v2  }
0x96: {  	v2 =	vor.u32 v2, v3  }
0x97: {  	v2 =	vperm.xlane v2, v0;
	_ =	sdelay $0x1  }
0x98: {  	v2 =	vadd.s32 v1, v2;
	_ =	sdelay $0x4  }
0x99: {  	[tilespmem:s24], [sflag:$0x1] =	stream.indirect_vreg.gather [hbm4b:s5+s3], $0x80, v2, vm0, $0xb8;
	[tilespmem:$0x19000] =	vst v63  }
0x9a: {  	s24 =	simm.s32 $0x1800  }
0x9b: {  	[tilespmem:s24], [sflag:$0x1] =	stream.indirect_vreg.gather [hbm4b:s6+s3], $0x80, v2, vm0, $0xb8;
	[tilespmem:$0x19000] =	vst v63  }
0x9c: {  	s24 =	simm.s32 $0x2000  }
0x9d: {  	[tilespmem:s24], [sflag:$0x1] =	stream.indirect_vreg.gather [hbm4b:s7+s3], $0x80, v2, vm0, $0xb8;
	[tilespmem:$0x19000] =	vst v63  }
0x9e: {  	s24 =	simm.s32 $0x2800  }
0x9f: {  	[tilespmem:s24], [sflag:$0x1] =	stream.indirect_vreg.gather [hbm4b:s8+s3], $0x80, v2, vm0, $0xb8;
	[tilespmem:$0x19000] =	vst v63  }
0xa0: {  	s24 =	simm.s32 $0x3000  }
0xa1: {  	[tilespmem:s24], [sflag:$0x1] =	stream.indirect_vreg.gather [hbm4b:s9+s3], $0x80, v2, vm0, $0xb8;
	[tilespmem:$0x19000] =	vst v63  }
0xa2: {  	s24 =	simm.s32 $0x3800  }
0xa3: {  	[tilespmem:s24], [sflag:$0x1] =	stream.indirect_vreg.gather [hbm4b:s10+s3], $0x80, v2, vm0, $0xb8;
	[tilespmem:$0x19000] =	vst v63  }
0xa4: {  	s24 =	simm.s32 $0x4000  }
0xa5: {  	[tilespmem:s24], [sflag:$0x1] =	stream.indirect_vreg.gather [hbm4b:s11+s3], $0x80, v2, vm0, $0xb8;
	[tilespmem:$0x19000] =	vst v63  }
0xa6: {  	s24 =	simm.s32 $0x4800  }
0xa7: {  	[tilespmem:s24], [sflag:$0x1] =	stream.indirect_vreg.gather [hbm4b:s12+s3], $0x80, v2, vm0, $0xb8;
	[tilespmem:$0x19000] =	vst v63  }
0xa8: {  	s24 =	simm.s32 $0x5000  }
0xa9: {  	[tilespmem:s24], [sflag:$0x1] =	stream.indirect_vreg.gather [hbm4b:s13+s3], $0x80, v2, vm0, $0xb8;
	[tilespmem:$0x19000] =	vst v63  }
0xaa: {  	s24 =	simm.s32 $0x5800  }
0xab: {  	[tilespmem:s24], [sflag:$0x1] =	stream.indirect_vreg.gather [hbm4b:s14+s3], $0x80, v2, vm0, $0xb8;
	[tilespmem:$0x19000] =	vst v63  }
0xac: {  	s24 =	simm.s32 $0x6000  }
0xad: {  	[tilespmem:s24], [sflag:$0x1] =	stream.indirect_vreg.gather [hbm4b:s15+s3], $0x80, v2, vm0, $0xb8;
	[tilespmem:$0x19000] =	vst v63  }
0xae: {  	s24 =	simm.s32 $0x6800  }
0xaf: {  	[tilespmem:s24], [sflag:$0x1] =	stream.indirect_vreg.gather [hbm4b:s16+s3], $0x80, v2, vm0, $0xb8;
	[tilespmem:$0x19000] =	vst v63  }
0xb0: {  	s24 =	simm.s32 $0x7000  }
0xb1: {  	[tilespmem:s24], [sflag:$0x1] =	stream.indirect_vreg.gather [hbm4b:s17+s3], $0x80, v2, vm0, $0xb8;
	[tilespmem:$0x19000] =	vst v63  }
0xb2: {  	s24 =	simm.s32 $0x7800  }
0xb3: {  	[tilespmem:s24], [sflag:$0x1] =	stream.indirect_vreg.gather [hbm4b:s22+s3], $0x80, v2, vm0, $0xb8;
	[tilespmem:$0x19000] =	vst v63  }
0xb4: {  	s24 =	simm.s32 $0x8000  }
0xb5: {  	[tilespmem:s24], [sflag:$0x1] =	stream.indirect_vreg.gather [hbm4b:s18+s3], $0x80, v2, vm0, $0xb8;
	[tilespmem:$0x19000] =	vst v63  }
0xb6: {  	s24 =	simm.s32 $0x8800  }
0xb7: {  	[tilespmem:s24], [sflag:$0x1] =	stream.indirect_vreg.gather [hbm4b:s20+s3], $0x80, v2, vm0, $0xb8;
	[tilespmem:$0x19000] =	vst v63  }
0xb8: {  	s24 =	simm.s32 $0x9000  }
0xb9: {  	[tilespmem:s24], [sflag:$0x1] =	stream.indirect_vreg.gather [hbm4b:s21+s3], $0x80, v2, vm0, $0xb8;
	[tilespmem:$0x19000] =	vst v63  }
0xba: {  	s24 =	simm.s32 $0x9800  }
0xbb: {  	[tilespmem:s24], [sflag:$0x1] =	stream.indirect_vreg.gather [hbm4b:s23+s3], $0x80, v2, vm0, $0xb8;
	[tilespmem:$0x19000] =	vst v63  }
0xbc: {  	s24 =	simm.s32 $0xA000  }
0xbd: {  	[tilespmem:s24], [sflag:$0x1] =	stream.indirect_vreg.gather [hbm4b:s26+s3], $0x80, v2, vm0, $0xb8;
	[tilespmem:$0x19000] =	vst v63  }
0xbe: {  	s1 =	smov.u32 s18;
	s24 =	simm.s32 $0xA800  }
0xbf: {  	[tilespmem:s24], [sflag:$0x1] =	stream.indirect_vreg.gather [hbm4b:s28+s3], $0x80, v2, vm0, $0xb8;
	[tilespmem:$0x19000] =	vst v63  }
0xc0: {  	s18 =	smov.u32 s22;
	s22 =	smov.u32 s17;
	s24 =	simm.s32 $0xB000  }
0xc1: {  	[tilespmem:s24], [sflag:$0x1] =	stream.indirect_vreg.gather [hbm4b:s29+s3], $0x80, v2, vm0, $0xb8;
	[tilespmem:$0x19000] =	vst v63  }
0xc2: {  	s17 =	smov.u32 s16;
	s16 =	smov.u32 s15;
	s24 =	simm.s32 $0xB800  }
0xc3: {  	[tilespmem:s24], [sflag:$0x1] =	stream.indirect_vreg.gather [hbm4b:s30+s3], $0x80, v2, vm0, $0xb8;
	[tilespmem:$0x19000] =	vst v63  }
0xc4: {  	s15 =	smov.u32 s14;
	s14 =	smov.u32 s13;
	s24 =	simm.s32 $0xC000  }
0xc5: {  	[tilespmem:s24], [sflag:$0x1] =	stream.indirect_vreg.gather [hbm4b:s31+s3], $0x80, v2, vm0, $0xb8;
	[tilespmem:$0x19000] =	vst v63  }
0xc6: {  	s13 =	smov.u32 s12;
	s12 =	smov.u32 s11;
	s24 =	simm.s32 $0xC800  }
0xc7: {  	[tilespmem:s24], [sflag:$0x1] =	stream.indirect_vreg.gather [hbm4b:s0+s3], $0x80, v2, vm0, $0xb8;
	[tilespmem:$0x19000] =	vst v63  }
0xc8: {  	s11 =	smov.u32 s10;
	s10 =	smov.u32 s9;
	s24 =	simm.s32 $0x2  }
0xc9: {  	s9 =	smov.u32 s8;
	s8 =	smov.u32 s7;
	_ =	swait.ge [sflag:s24], $0xC000  }
0xca: {  	s7 =	smov.u32 s6;
	s6 =	smov.u32 s5;
	[sflag:s24] =	ssyncset.done $0x0  }
0xcb: {  	s5 =	sadd.s32 $0x1800, s2;
	[sflag:s24] =	ssyncadd.s32 $0xFFFF4000;
	s24 =	simm.s32 $0xD000  }
0xcc: {  	[hbm4b:s5+s3] =	stream.linear.scatter [tilespmem:s24], [sflag:$0x4], $0xC000, $0x38;
	[tilespmem:$0x19000] =	vst v63  }
0xcd: {  	s5 =	smov.u32 s6  }
0xce: {  	s6 =	smov.u32 s7;
	s7 =	smov.u32 s8;
	s8 =	smov.u32 s9  }
0xcf: {  	s9 =	smov.u32 s10;
	s10 =	smov.u32 s11;
	s11 =	smov.u32 s12  }
0xd0: {  	s12 =	smov.u32 s13;
	s13 =	smov.u32 s14;
	s14 =	smov.u32 s15  }
0xd1: {  	s15 =	smov.u32 s16;
	s16 =	smov.u32 s17;
	s17 =	smov.u32 s22  }
0xd2: {  	s22 =	smov.u32 s18;
	s18 =	smov.u32 s1;
	s1 =	simm.s32 $0x4  }
0xd3: {  	_ =	swait.ge [sflag:s1], $0xC000  }
0xd4: {  	[sflag:s1] =	ssyncset.done $0x0  }
0xd5: {  	[sflag:s1] =	ssyncadd.s32 $0xFFFF4000  }
0xd6: {  	v2 =	vld.msk [tilespmem:s25+$0x180], $0xff;
	_ =	sdelay $0x4  }
0xd7: {  	v3 =	vshrl.u32 v2, $0x3  }
0xd8: {  	v3 =	vmul.u32 $0x180, v3  }
0xd9: {  	v2 =	vand.u32 $0x7, v2  }
0xda: {  	v2 =	vor.u32 v2, v3  }
0xdb: {  	v2 =	vperm.xlane v2, v0;
	_ =	sdelay $0x1  }
0xdc: {  	v2 =	vadd.s32 v1, v2;
	_ =	sdelay $0x4  }
0xdd: {  	[tilespmem:s24], [sflag:$0x2] =	stream.indirect_vreg.gather [hbm4b:s5+s3], $0x80, v2, vm0, $0xb8;
	[tilespmem:$0x19000] =	vst v63  }
0xde: {  	s24 =	simm.s32 $0xD800  }
0xdf: {  	[tilespmem:s24], [sflag:$0x2] =	stream.indirect_vreg.gather [hbm4b:s6+s3], $0x80, v2, vm0, $0xb8;
	[tilespmem:$0x19000] =	vst v63  }
0xe0: {  	s1 =	simm.s32 $0xE000  }
0xe1: {  	[tilespmem:s1], [sflag:$0x2] =	stream.indirect_vreg.gather [hbm4b:s7+s3], $0x80, v2, vm0, $0xb8;
	[tilespmem:$0x19000] =	vst v63  }
0xe2: {  	s1 =	simm.s32 $0xE800  }
0xe3: {  	[tilespmem:s1], [sflag:$0x2] =	stream.indirect_vreg.gather [hbm4b:s8+s3], $0x80, v2, vm0, $0xb8;
	[tilespmem:$0x19000] =	vst v63  }
0xe4: {  	s1 =	simm.s32 $0xF000  }
0xe5: {  	[tilespmem:s1], [sflag:$0x2] =	stream.indirect_vreg.gather [hbm4b:s9+s3], $0x80, v2, vm0, $0xb8;
	[tilespmem:$0x19000] =	vst v63  }
0xe6: {  	s1 =	simm.s32 $0xF800  }
0xe7: {  	[tilespmem:s1], [sflag:$0x2] =	stream.indirect_vreg.gather [hbm4b:s10+s3], $0x80, v2, vm0, $0xb8;
	[tilespmem:$0x19000] =	vst v63  }
0xe8: {  	s1 =	simm.s32 $0x10000  }
0xe9: {  	[tilespmem:s1], [sflag:$0x2] =	stream.indirect_vreg.gather [hbm4b:s11+s3], $0x80, v2, vm0, $0xb8;
	[tilespmem:$0x19000] =	vst v63  }
0xea: {  	s1 =	simm.s32 $0x10800  }
0xeb: {  	[tilespmem:s1], [sflag:$0x2] =	stream.indirect_vreg.gather [hbm4b:s12+s3], $0x80, v2, vm0, $0xb8;
	[tilespmem:$0x19000] =	vst v63  }
0xec: {  	s1 =	simm.s32 $0x11000  }
0xed: {  	[tilespmem:s1], [sflag:$0x2] =	stream.indirect_vreg.gather [hbm4b:s13+s3], $0x80, v2, vm0, $0xb8;
	[tilespmem:$0x19000] =	vst v63  }
0xee: {  	s1 =	simm.s32 $0x11800  }
0xef: {  	[tilespmem:s1], [sflag:$0x2] =	stream.indirect_vreg.gather [hbm4b:s14+s3], $0x80, v2, vm0, $0xb8;
	[tilespmem:$0x19000] =	vst v63  }
0xf0: {  	s1 =	simm.s32 $0x12000  }
0xf1: {  	[tilespmem:s1], [sflag:$0x2] =	stream.indirect_vreg.gather [hbm4b:s15+s3], $0x80, v2, vm0, $0xb8;
	[tilespmem:$0x19000] =	vst v63  }
0xf2: {  	s1 =	simm.s32 $0x12800  }
0xf3: {  	[tilespmem:s1], [sflag:$0x2] =	stream.indirect_vreg.gather [hbm4b:s16+s3], $0x80, v2, vm0, $0xb8;
	[tilespmem:$0x19000] =	vst v63  }
0xf4: {  	s1 =	simm.s32 $0x13000  }
0xf5: {  	[tilespmem:s1], [sflag:$0x2] =	stream.indirect_vreg.gather [hbm4b:s17+s3], $0x80, v2, vm0, $0xb8;
	[tilespmem:$0x19000] =	vst v63  }
0xf6: {  	s1 =	simm.s32 $0x13800  }
0xf7: {  	[tilespmem:s1], [sflag:$0x2] =	stream.indirect_vreg.gather [hbm4b:s22+s3], $0x80, v2, vm0, $0xb8;
	[tilespmem:$0x19000] =	vst v63  }
0xf8: {  	s1 =	simm.s32 $0x14000  }
0xf9: {  	[tilespmem:s1], [sflag:$0x2] =	stream.indirect_vreg.gather [hbm4b:s18+s3], $0x80, v2, vm0, $0xb8;
	[tilespmem:$0x19000] =	vst v63  }
0xfa: {  	s25 =	smov.u32 s20;
	s1 =	simm.s32 $0x14800  }
0xfb: {  	[tilespmem:s1], [sflag:$0x2] =	stream.indirect_vreg.gather [hbm4b:s25+s3], $0x80, v2, vm0, $0xb8;
	[tilespmem:$0x19000] =	vst v63  }
0xfc: {  	s20 =	smov.u32 s21;
	s1 =	simm.s32 $0x15000  }
0xfd: {  	[tilespmem:s1], [sflag:$0x2] =	stream.indirect_vreg.gather [hbm4b:s20+s3], $0x80, v2, vm0, $0xb8;
	[tilespmem:$0x19000] =	vst v63  }
0xfe: {  	s21 =	smov.u32 s23;
	s1 =	simm.s32 $0x15800  }
0xff: {  	[tilespmem:s1], [sflag:$0x2] =	stream.indirect_vreg.gather [hbm4b:s21+s3], $0x80, v2, vm0, $0xb8;
	[tilespmem:$0x19000] =	vst v63  }
0x100: {  	s1 =	simm.s32 $0x16000  }
0x101: {  	[tilespmem:s1], [sflag:$0x2] =	stream.indirect_vreg.gather [hbm4b:s26+s3], $0x80, v2, vm0, $0xb8;
	[tilespmem:$0x19000] =	vst v63  }
0x102: {  	s1 =	simm.s32 $0x16800  }
0x103: {  	[tilespmem:s1], [sflag:$0x2] =	stream.indirect_vreg.gather [hbm4b:s28+s3], $0x80, v2, vm0, $0xb8;
	[tilespmem:$0x19000] =	vst v63  }
0x104: {  	s1 =	simm.s32 $0x17000  }
0x105: {  	[tilespmem:s1], [sflag:$0x2] =	stream.indirect_vreg.gather [hbm4b:s29+s3], $0x80, v2, vm0, $0xb8;
	[tilespmem:$0x19000] =	vst v63  }
0x106: {  	p0 =	sne.s32 s4, $0x3800;
	s1 =	simm.s32 $0x17800  }
0x107: {  	[tilespmem:s1], [sflag:$0x2] =	stream.indirect_vreg.gather [hbm4b:s30+s3], $0x80, v2, vm0, $0xb8;
	[tilespmem:$0x19000] =	vst v63  }
.Ltmp0:
0x108: {  	_ = 	snop;
	(pc) =	sbr.rel @p0 .LBB2_2-.Ltmp0, $4  }
0x109: {  	s4 =	sadd.s32 $0x400, s4;
	s19 =	simm.s32 $0x1000;
	s1 =	simm.s32 $0x18000  }
0x10a: {  	[tilespmem:s1], [sflag:$0x2] =	stream.indirect_vreg.gather [hbm4b:s31+s3], $0x80, v2, vm0, $0xb8;
	[tilespmem:$0x19000] =	vst v63  }
0x10b: {  	s2 =	sadd.s32 $0x3000, s2;
	s23 =	simm.s32 $0xD000;
	s1 =	simm.s32 $0x18800  }
0x10c: {  	[tilespmem:s1], [sflag:$0x2] =	stream.indirect_vreg.gather [hbm4b:s0+s3], $0x80, v2, vm0, $0xb8;
	[tilespmem:$0x19000] =	vst v63  }
0x10d: {  	s1 =	simm.s32 $0x1  }
0x10e: {  	_ =	swait.ge [sflag:s1], $0xC000  }
0x10f: {  	[sflag:s1] =	ssyncset.done $0x0  }
0x110: {  	s4 =	simm.s32 $0x2;
	s2 =	rddreg [dreg:$0x6];
	[sflag:s1] =	ssyncadd.s32 $0xFFFF4000  }
0x111: {  	[hbm4b:s2+s3] =	stream.linear.scatter [tilespmem:s19], [sflag:$0x3], $0xC000, $0x38;
	[tilespmem:$0x19000] =	vst v63  }
0x112: {  	_ =	swait.ge [sflag:s4], $0xC000  }
0x113: {  	[sflag:s4] =	ssyncset.done $0x0  }
0x114: {  	s2 =	rddreg [dreg:$0x7];
	[sflag:s4] =	ssyncadd.s32 $0xFFFF4000;
	s4 =	simm.s32 $0x3  }
0x115: {  	[hbm4b:s2+s3] =	stream.linear.scatter [tilespmem:s23], [sflag:$0x4], $0xC000, $0x38;
	[tilespmem:$0x19000] =	vst v63  }
0x116: {  	_ =	swait.ge [sflag:s4], $0xC000  }
0x117: {  	[sflag:s4] =	ssyncset.done $0x0  }
0x118: {  	s2 =	simm.s32 $0x4;
	[sflag:s4] =	ssyncadd.s32 $0xFFFF4000  }
0x119: {  	_ =	swait.ge [sflag:s2], $0xC000  }
0x11a: {  	s4 =	rddreg [dreg:$0x9]  }
0x11b: {  	s1 =	rddreg [dreg:$0x8];
	s4 =	sadd.s32 $0x1, s4  }
0x11c: {  	p0 =	sne.s32 s4, s1  }
.Ltmp1:
0x11d: {  	_ = 	snop;
	(pc) =	sbr.rel @p0 .LBB2_1-.Ltmp1, $3  }
0x11e: {  	_ =	sdelay $0x1  }
0x11f: {  	[sflag:s2] =	ssyncset.done $0x0  }
0x120: {  	[sflag:s2] =	ssyncadd.s32 $0xFFFF4000;
	[dreg:$0x9] =	wrdreg s4;
	s4 =	simm.s32 $0x2000  }
0x121: {  	_ =	sfence.sel $0x180000  }
0x122: {  	[bflag:$0x0] =	sbarrier.arrive $0xFFFF  }
0x123: {  	_ =	strace $0x90000047  }
0x124: {  	s0 =	stileid.u32;
	[bflag:$0x2] =	sbarrier.arrive $0xFFFF  }
0x125: {  	p0 =	sne.s32 s0, $0x0;
	s0 =	rddreg [dreg:$0x3]  }
0x126: {  	s0 =	sadd.s32 @!p0 $0x100000, s0  }
0x127: {  	[sflag:s0] =	ssyncadd.tile.s32 @!p0 $0x1;
	_ =	shalt  }
.Lfunc_end2:
_tile_overlayer_lowered:
.L_overlay_start_2:
0x128: {  	(tag) =	ssettag $0x2  }
0x129: {  	s0 =	rddreg [dreg:$0x0];
	s2 =	stileid.u32  }
0x12a: {  	s1 =	rddreg [dreg:$0x1];
	p0 =	sne.s32 s2, $0x0  }
0x12b: {  	s3 =	rddreg [dreg:$0x2];
	[bflag:$0x3] =	sbarrier.arrive $0xFFFF;
	s2 =	simm.s32 @!p0 $0x1C05  }
0x12c: {  	[timem:s3], [sflag:s2] =	dma.local @!p0 [hbm:s0], s1  }
0x12d: {  	s0 =	simm.s32 @!p0 $0x5  }
0x12e: {  	_ =	swait.ge @!p0 [sflag:s0], s1  }
0x12f: {  	s1 =	ssub.s32 @!p0 $0x0, s1;
	[sflag:s0] =	ssyncset.done @!p0 $0x0  }
0x130: {  	[sflag:s0] =	ssyncadd.s32 @!p0 s1  }
0x131: {  	[bflag:$0x3] =	sbarrier.arrive $0xFFFF  }
0x132: {  	_ =	shalt  }

</sc_bundles>
